<compile_context>
chip_gen: v7x
topology: tpu7x:2x2x1
jax: 0.10.2.dev20260603
libtpu: 0.0.44.dev20260713+nightly
codegen_flags: <defaults>
</compile_context>

<pallas_src>
import functools

import jax
import jax.numpy as jnp
from jax import lax
from jax.experimental import pallas as pl
from jax.experimental.pallas import tpu as pltpu
from jax.experimental.pallas import tpu_sc as plsc

D_MODEL = 64
LANES = 16
NUM_WORKERS = 32
CONV_COLS = 32768
HALF = CONV_COLS // 2
QUART = CONV_COLS // 4
GROUP_SHIFT = 15
QUART_SHIFT = 13
GATHER_CHUNK = 128
TC_BLOCK = 2048


def _tc_reformat(emb_t, eye, vocab):
    n_blocks = pl.cdiv(vocab, CONV_COLS)
    n_pairs = n_blocks * QUART

    def body(x_ref, eye_ref, o_ref):
        x16 = x_ref[...].astype(jnp.bfloat16)
        t = jax.lax.dot_general(
            x16, eye_ref[...], (((0,), (0,)), ((), ())),
            preferred_element_type=jnp.float32)
        t16 = jax.lax.bitcast_convert_type(
            t.astype(jnp.bfloat16), jnp.uint16)
        q = [jax.lax.convert_element_type(t16[k * QUART:(k + 1) * QUART],
                                          jnp.uint32)
             for k in range(4)]
        pack_a = jax.lax.bitcast_convert_type(
            q[0] | jax.lax.shift_left(q[1], jnp.uint32(16)), jnp.float32)
        pack_b = jax.lax.bitcast_convert_type(
            q[2] | jax.lax.shift_left(q[3], jnp.uint32(16)), jnp.float32)
        o_ref[...] = jnp.concatenate([pack_a, pack_b], axis=1)

    return pl.pallas_call(
        body,
        grid=(n_blocks,),
        in_specs=[
            pl.BlockSpec((D_MODEL, CONV_COLS), lambda i: (0, i),
                         pipeline_mode=pl.Buffered(buffer_count=2)),
            pl.BlockSpec((D_MODEL, D_MODEL), lambda i: (0, 0)),
        ],
        out_specs=pl.BlockSpec((QUART, 128), lambda i: (i, 0),
                               pipeline_mode=pl.Buffered(buffer_count=2)),
        out_shape=jax.ShapeDtypeStruct((n_pairs, 128), jnp.float32),
        compiler_params=pltpu.CompilerParams(
            dimension_semantics=("parallel",),
            fuse_transposed_lhs_in_matmul=True,
            vmem_limit_bytes=100 * 1024 * 1024,
        ),
    )(emb_t, eye)


def _sc_gather_pairs(table, idx_w, batch):
    rows_per_w = batch // NUM_WORKERS
    n_chunks = rows_per_w // GATHER_CHUNK
    mesh = plsc.VectorSubcoreMesh(core_axis_name="core", subcore_axis_name="subcore")

    @pl.kernel(
        out_type=jax.ShapeDtypeStruct((batch, 128), jnp.float32),
        mesh=mesh,
        compiler_params=pltpu.CompilerParams(needs_layout_passes=False),
        scratch_types=[
            pltpu.VMEM((rows_per_w,), jnp.int32),
            pltpu.VMEM((n_chunks, GATHER_CHUNK), jnp.int32),
            pltpu.VMEM((rows_per_w, 128), jnp.float32),
            pltpu.SemaphoreType.DMA,
        ],
    )
    def gather_kernel(tab_hbm, idx_hbm, out_hbm,
                      idx_vmem, pidx_vmem, rows_vmem, sem):
        wid = lax.axis_index("subcore") * 2 + lax.axis_index("core")
        pltpu.sync_copy(idx_hbm.at[wid], idx_vmem)

        @pl.loop(0, rows_per_w, step=LANES)
        def _mkpidx(i):
            v = idx_vmem[pl.ds(i, LANES)]
            g = jax.lax.shift_right_logical(v, GROUP_SHIFT)
            rem = jax.lax.bitwise_and(v, QUART - 1)
            c = i // GATHER_CHUNK
            o = i - c * GATHER_CHUNK
            pidx_vmem[c, pl.ds(o, LANES)] = (
                jax.lax.shift_left(g, QUART_SHIFT) + rem
            )

        for c in range(n_chunks):
            pltpu.async_copy(
                tab_hbm.at[pidx_vmem.at[c]],
                rows_vmem.at[pl.ds(c * GATHER_CHUNK, GATHER_CHUNK)],
                sem,
            )
        for c in range(n_chunks):
            pltpu.make_async_copy(
                tab_hbm.at[pl.ds(0, GATHER_CHUNK)],
                rows_vmem.at[pl.ds(c * GATHER_CHUNK, GATHER_CHUNK)],
                sem,
            ).wait()

        pltpu.sync_copy(rows_vmem, out_hbm.at[pl.ds(wid * rows_per_w, rows_per_w)])

    return gather_kernel(table, idx_w)


def _tc_mlp_select_add(a_pairs, idx_row, x_row, eye128, w1col, b1col, w2, b2col,
                       batch):

    def body(a_ref, i_ref, x_ref, eye_ref, w1_ref, b1_ref, w2_ref, b2_ref,
             o_ref):
        u = jax.lax.bitcast_convert_type(a_ref[...], jnp.uint32)
        lo = jax.lax.bitcast_convert_type(
            jax.lax.shift_left(u, jnp.uint32(16)), jnp.float32).astype(jnp.bfloat16)
        hi = jax.lax.bitcast_convert_type(
            u & jnp.uint32(0xFFFF0000), jnp.float32).astype(jnp.bfloat16)
        at_lo = jax.lax.dot_general(
            eye_ref[...], lo, (((1,), (1,)), ((), ())),
            preferred_element_type=jnp.float32)
        at_hi = jax.lax.dot_general(
            eye_ref[...], hi, (((1,), (1,)), ((), ())),
            preferred_element_type=jnp.float32)
        sub = jax.lax.shift_right_logical(i_ref[...], QUART_SHIFT)
        take_hi = jax.lax.bitwise_and(sub, 1) == 1
        take_b = jax.lax.bitwise_and(sub, 2) == 2
        x_sel = jnp.where(take_hi, at_hi, at_lo)
        sel = jnp.where(take_b, x_sel[D_MODEL:, :], x_sel[:D_MODEL, :])
        h = w1_ref[...] * x_ref[...] + b1_ref[...]
        h = h * jax.nn.sigmoid(h)
        st = jax.lax.dot_general(
            w2_ref[...], h, (((0,), (0,)), ((), ())),
            preferred_element_type=jnp.float32)
        o_ref[...] = sel + st + b2_ref[...]

    grid = (batch // TC_BLOCK,)
    return pl.pallas_call(
        body,
        grid=grid,
        in_specs=[
            pl.BlockSpec((TC_BLOCK, 128), lambda i: (i, 0)),
            pl.BlockSpec((1, TC_BLOCK), lambda i: (0, i)),
            pl.BlockSpec((1, TC_BLOCK), lambda i: (0, i)),
            pl.BlockSpec((128, 128), lambda i: (0, 0)),
            pl.BlockSpec((D_MODEL, 1), lambda i: (0, 0)),
            pl.BlockSpec((D_MODEL, 1), lambda i: (0, 0)),
            pl.BlockSpec((D_MODEL, D_MODEL), lambda i: (0, 0)),
            pl.BlockSpec((D_MODEL, 1), lambda i: (0, 0)),
        ],
        out_specs=pl.BlockSpec((D_MODEL, TC_BLOCK), lambda i: (0, i)),
        out_shape=jax.ShapeDtypeStruct((D_MODEL, batch), jnp.float32),
    )(a_pairs, idx_row, x_row, eye128, w1col, b1col, w2, b2col)


def kernel(artifact_idx, intensity_scalar, emb, W1, b1, W2, b2):
    batch = artifact_idx.shape[0]
    vocab = emb.shape[0]
    rows_per_w = batch // NUM_WORKERS
    idx = artifact_idx.astype(jnp.int32)
    idx_w = idx.reshape(NUM_WORKERS, rows_per_w)
    eye = jnp.eye(D_MODEL, dtype=jnp.bfloat16)
    table = _tc_reformat(emb.T, eye, vocab)
    a_pairs = _sc_gather_pairs(table, idx_w, batch)
    out_t = _tc_mlp_select_add(
        a_pairs,
        idx.reshape(1, batch),
        intensity_scalar.reshape(1, batch),
        jnp.eye(128, dtype=jnp.bfloat16),
        W1.reshape(D_MODEL, 1),
        b1.reshape(D_MODEL, 1),
        W2,
        b2.reshape(D_MODEL, 1),
        batch,
    )
    return out_t.T

# --- scband reference (transcript-rebuilt; emitter-appended) ---
"""Pipeline reference for scband-cond-embedding-55241869361333 (READ-ONLY COPY).

The authoritative reference and input builder live on the scoring server;
editing this copy changes nothing except your own understanding.
"""

import jax, jax.numpy as jnp
import numpy as np

ARTIFACT_K = 1000000
D_MODEL = 64
INTENSITY_DIM = 1
BATCH = 16384

def setup_inputs(seed: int = 0) -> dict:
    key = jax.random.key(seed)
    k1, k2, k3, k4, k5, k6, k7 = jax.random.split(key, 7)
    artifact_idx = jax.random.randint(k1, (BATCH,), 0, ARTIFACT_K, dtype=jnp.int64 if jax.config.read('jax_enable_x64') else jnp.int32)
    intensity_scalar = jax.random.uniform(k2, (BATCH, INTENSITY_DIM), dtype=jnp.float32)
    emb = jax.random.normal(k3, (ARTIFACT_K, D_MODEL), dtype=jnp.float32) * 0.02
    W1 = jax.random.normal(k4, (INTENSITY_DIM, D_MODEL), dtype=jnp.float32) * (1.0 / np.sqrt(INTENSITY_DIM))
    b1 = jnp.zeros((D_MODEL,), dtype=jnp.float32)
    W2 = jax.random.normal(k5, (D_MODEL, D_MODEL), dtype=jnp.float32) * (1.0 / np.sqrt(D_MODEL))
    b2 = jnp.zeros((D_MODEL,), dtype=jnp.float32)
    return {"artifact_idx": artifact_idx, "intensity_scalar": intensity_scalar, "emb": emb, "W1": W1, "b1": b1, "W2": W2, "b2": b2}

def reference(artifact_idx, intensity_scalar, emb, W1, b1, W2, b2):
    # a = self.artifact_emb(artifact_idx)
    a = jnp.take(emb, artifact_idx, axis=0)
    # s = self.intensity_mlp(intensity_scalar): Linear -> SiLU -> Linear
    h = intensity_scalar @ W1 + b1
    h = h * jax.nn.sigmoid(h)  # SiLU
    s = h @ W2 + b2
    # dropout is identity in eval mode
    return a + s

if __name__ == "__main__":
    import jax
    _d = setup_inputs()
    print(jax.jit(kernel)(*tuple(_d.values())))

</pallas_src>

<mosaic_0001>
#map = affine_map<(d0, d1) -> (0, 0)>
module attributes {stable_mosaic.version = 14 : i64} {
  func.func @gather_kernel(%arg0: i32, %arg1: i32, %arg2: memref<253952x128xf32, #tpu.memory_space<hbm>>, %arg3: memref<32x512xi32, #tpu.memory_space<hbm>>, %arg4: memref<16384x128xf32, #tpu.memory_space<hbm>>, %arg5: memref<512xi32, #tpu.memory_space<vmem>>, %arg6: memref<4x128xi32, #tpu.memory_space<vmem>>, %arg7: memref<512x128xf32, #tpu.memory_space<vmem>>, %arg8: memref<!tpu.dma_semaphore, #tpu.memory_space<semaphore_mem>>) attributes {dimension_semantics = [#tpu.dimension_semantics<core_parallel>, #tpu.dimension_semantics<subcore_parallel>], iteration_bounds = array<i64: 2, 16>, scalar_prefetch = 0 : i64, scratch_operands = 4 : i64, tpu.core_type = #tpu.core_type<sc_vector_subcore>, window_params = [{transform_indices = #map}, {transform_indices = #map}, {transform_indices = #map}]} {
    %mul3A = arith.constant 2 : i32
    %mul3A_0 = arith.muli %arg1, %mul3A : i32
    %add3A = arith.addi %mul3A_0, %arg0 : i32
    "tpu.region"() ({
      %run_scoped3A = tpu.sem_alloc : memref<!tpu.dma_semaphore, #tpu.memory_space<semaphore_mem>>
      %dma_start3A_93 = arith.constant 0 : i32
      %dma_start3A_94 = tpu.memref_slice %arg3[%add3A, %dma_start3A_93] : memref<32x512xi32, #tpu.memory_space<hbm>> -> memref<1x512xi32, #tpu.memory_space<hbm>>
      %dma_start3A_95 = tpu.memref_squeeze %dma_start3A_94 : memref<1x512xi32, #tpu.memory_space<hbm>> -> memref<512xi32, #tpu.memory_space<hbm>>
      %dma_start3A_96 = arith.constant 0 : i32
      %dma_start3A_97 = tpu.memref_slice %arg3[%add3A, %dma_start3A_96] : memref<32x512xi32, #tpu.memory_space<hbm>> -> memref<1x512xi32, #tpu.memory_space<hbm>>
      %dma_start3A_98 = tpu.memref_squeeze %dma_start3A_97 : memref<1x512xi32, #tpu.memory_space<hbm>> -> memref<512xi32, #tpu.memory_space<hbm>>
      tpu.enqueue_dma source(%dma_start3A_98 : memref<512xi32, #tpu.memory_space<hbm>>) target(%arg5 : memref<512xi32, #tpu.memory_space<vmem>>) target_semaphore(%run_scoped3A : memref<!tpu.dma_semaphore, #tpu.memory_space<semaphore_mem>>)
      %dma_wait3A_99 = arith.constant 0 : i32
      %dma_wait3A_100 = tpu.memref_slice %arg3[%add3A, %dma_wait3A_99] : memref<32x512xi32, #tpu.memory_space<hbm>> -> memref<1x512xi32, #tpu.memory_space<hbm>>
      %dma_wait3A_101 = tpu.memref_squeeze %dma_wait3A_100 : memref<1x512xi32, #tpu.memory_space<hbm>> -> memref<512xi32, #tpu.memory_space<hbm>>
      %dma_wait3A_102 = arith.constant 0 : i32
      %dma_wait3A_103 = tpu.memref_slice %arg3[%add3A, %dma_wait3A_102] : memref<32x512xi32, #tpu.memory_space<hbm>> -> memref<1x512xi32, #tpu.memory_space<hbm>>
      %dma_wait3A_104 = tpu.memref_squeeze %dma_wait3A_103 : memref<1x512xi32, #tpu.memory_space<hbm>> -> memref<512xi32, #tpu.memory_space<hbm>>
      tpu.wait_dma2 semaphore(%run_scoped3A : memref<!tpu.dma_semaphore, #tpu.memory_space<semaphore_mem>>) src(%dma_wait3A_104 : memref<512xi32, #tpu.memory_space<hbm>>) dst(%arg5 : memref<512xi32, #tpu.memory_space<vmem>>)
      tpu.yield
    }) : () -> ()
    %scan3A = arith.constant 0 : i32
    %scan3A_1 = arith.constant 32 : i32
    %scan3A_2 = arith.addi %scan3A, %scan3A_1 : i32
    %scan3A_3 = arith.constant 1 : i32
    scf.for %scan3A_93 = %scan3A to %scan3A_2 step %scan3A_3  : i32 {
      %mul3A_94 = arith.constant 16 : i32
      %mul3A_95 = arith.muli %scan3A_93, %mul3A_94 : i32
      %add3A_96 = arith.constant 0 : i32
      %add3A_97 = arith.addi %add3A_96, %mul3A_95 : i32
      %get3A = arith.index_cast %add3A_97 : i32 to index
      %get3A_98 = tpu.vector_load %arg5[%get3A] {strides = array<i32>} : memref<512xi32, #tpu.memory_space<vmem>>, vector<16xi32>,
      %shift_right_logical3A = arith.constant 15 : i32
      %shift_right_logical3A_99 = vector.broadcast %shift_right_logical3A : i32 to vector<16xi32>
      %shift_right_logical3A_100 = arith.shrui %get3A_98, %shift_right_logical3A_99 : vector<16xi32>
      %and3A = arith.constant 8191 : i32
      %and3A_101 = vector.broadcast %and3A : i32 to vector<16xi32>
      %and3A_102 = arith.andi %get3A_98, %and3A_101 : vector<16xi32>
      %jit3A = arith.constant 128 : i32
      %div3A = arith.divsi %add3A_97, %jit3A : i32
      %sign3A = arith.constant 0 : i32
      %sign3A_103 = arith.cmpi sgt, %add3A_97, %sign3A : i32
      %sign3A_104 = arith.extui %sign3A_103 : i1 to i32
      %sign3A_105 = arith.constant 0 : i32
      %sign3A_106 = arith.cmpi slt, %add3A_97, %sign3A_105 : i32
      %sign3A_107 = arith.extui %sign3A_106 : i1 to i32
      %sign3A_108 = arith.subi %sign3A_104, %sign3A_107 : i32
      %sign3A_109 = arith.constant 0 : i32
      %sign3A_110 = arith.cmpi sgt, %jit3A, %sign3A_109 : i32
      %sign3A_111 = arith.extui %sign3A_110 : i1 to i32
      %sign3A_112 = arith.constant 0 : i32
      %sign3A_113 = arith.cmpi slt, %jit3A, %sign3A_112 : i32
      %sign3A_114 = arith.extui %sign3A_113 : i1 to i32
      %sign3A_115 = arith.subi %sign3A_111, %sign3A_114 : i32
      %ne3A = arith.cmpi ne, %sign3A_108, %sign3A_115 : i32
      %rem3A = arith.remsi %add3A_97, %jit3A : i32
      %ne3A_116 = arith.constant 0 : i32
      %ne3A_117 = arith.cmpi ne, %rem3A, %ne3A_116 : i32
      %and3A_118 = arith.andi %ne3A, %ne3A_117 : i1
      %sub3A = arith.constant 1 : i32
      %sub3A_119 = arith.subi %div3A, %sub3A : i32
      %select_n3A = arith.select %and3A_118, %sub3A_119, %div3A : i32
      %mul3A_120 = arith.constant 128 : i32
      %mul3A_121 = arith.muli %select_n3A, %mul3A_120 : i32
      %sub3A_122 = arith.subi %add3A_97, %mul3A_121 : i32
      %shift_left3A = arith.constant 13 : i32
      %shift_left3A_123 = vector.broadcast %shift_left3A : i32 to vector<16xi32>
      %shift_left3A_124 = arith.shli %shift_right_logical3A_100, %shift_left3A_123 : vector<16xi32>
      %add3A_125 = arith.addi %shift_left3A_124, %and3A_102 : vector<16xi32>
      %swap3A = arith.index_cast %select_n3A : i32 to index
      %swap3A_126 = arith.index_cast %sub3A_122 : i32 to index
      %swap3A_127 = tpu.vector_load %arg6[%swap3A, %swap3A_126] {strides = array<i32>} : memref<4x128xi32, #tpu.memory_space<vmem>>, vector<16xi32>,
      tpu.vector_store %arg6[%swap3A, %swap3A_126], %add3A_125 {strides = array<i32>} : memref<4x128xi32, #tpu.memory_space<vmem>>, vector<16xi32>,
    }
    %scan3A_4 = arith.constant 32 : i32
    %dma_start3A = arith.constant 0 : i32
    %dma_start3A_5 = arith.constant 0 : i32
    %dma_start3A_6 = arith.constant 0 : i32
    %dma_start3A_7 = tpu.memref_slice %arg7[%dma_start3A_5, %dma_start3A_6] : memref<512x128xf32, #tpu.memory_space<vmem>> -> memref<128x128xf32, #tpu.memory_space<vmem>>
    %dma_start3A_8 = arith.constant 0 : i32
    %dma_start3A_9 = tpu.memref_slice %arg6[%dma_start3A, %dma_start3A_8] : memref<4x128xi32, #tpu.memory_space<vmem>> -> memref<1x128xi32, #tpu.memory_space<vmem>>
    %dma_start3A_10 = tpu.memref_squeeze %dma_start3A_9 : memref<1x128xi32, #tpu.memory_space<vmem>> -> memref<128xi32, #tpu.memory_space<vmem>>
    %dma_start3A_11 = arith.constant 0 : i32
    %dma_start3A_12 = arith.constant 0 : i32
    %dma_start3A_13 = tpu.memref_slice %arg2[%dma_start3A_11, %dma_start3A_12] : memref<253952x128xf32, #tpu.memory_space<hbm>> -> memref<253952x128xf32, #tpu.memory_space<hbm>>
    tpu.enqueue_indirect_dma source(%dma_start3A_13 : memref<253952x128xf32, #tpu.memory_space<hbm>>) target(%dma_start3A_7 : memref<128x128xf32, #tpu.memory_space<vmem>>) offsets(%dma_start3A_10 : memref<128xi32, #tpu.memory_space<vmem>>) semaphore(%arg8 : memref<!tpu.dma_semaphore, #tpu.memory_space<semaphore_mem>>)
    %dma_start3A_14 = arith.constant 1 : i32
    %dma_start3A_15 = arith.constant 128 : i32
    %dma_start3A_16 = arith.constant 0 : i32
    %dma_start3A_17 = tpu.memref_slice %arg7[%dma_start3A_15, %dma_start3A_16] : memref<512x128xf32, #tpu.memory_space<vmem>> -> memref<128x128xf32, #tpu.memory_space<vmem>>
    %dma_start3A_18 = arith.constant 0 : i32
    %dma_start3A_19 = tpu.memref_slice %arg6[%dma_start3A_14, %dma_start3A_18] : memref<4x128xi32, #tpu.memory_space<vmem>> -> memref<1x128xi32, #tpu.memory_space<vmem>>
    %dma_start3A_20 = tpu.memref_squeeze %dma_start3A_19 : memref<1x128xi32, #tpu.memory_space<vmem>> -> memref<128xi32, #tpu.memory_space<vmem>>
    %dma_start3A_21 = arith.constant 0 : i32
    %dma_start3A_22 = arith.constant 0 : i32
    %dma_start3A_23 = tpu.memref_slice %arg2[%dma_start3A_21, %dma_start3A_22] : memref<253952x128xf32, #tpu.memory_space<hbm>> -> memref<253952x128xf32, #tpu.memory_space<hbm>>
    tpu.enqueue_indirect_dma source(%dma_start3A_23 : memref<253952x128xf32, #tpu.memory_space<hbm>>) target(%dma_start3A_17 : memref<128x128xf32, #tpu.memory_space<vmem>>) offsets(%dma_start3A_20 : memref<128xi32, #tpu.memory_space<vmem>>) semaphore(%arg8 : memref<!tpu.dma_semaphore, #tpu.memory_space<semaphore_mem>>)
    %dma_start3A_24 = arith.constant 2 : i32
    %dma_start3A_25 = arith.constant 256 : i32
    %dma_start3A_26 = arith.constant 0 : i32
    %dma_start3A_27 = tpu.memref_slice %arg7[%dma_start3A_25, %dma_start3A_26] : memref<512x128xf32, #tpu.memory_space<vmem>> -> memref<128x128xf32, #tpu.memory_space<vmem>>
    %dma_start3A_28 = arith.constant 0 : i32
    %dma_start3A_29 = tpu.memref_slice %arg6[%dma_start3A_24, %dma_start3A_28] : memref<4x128xi32, #tpu.memory_space<vmem>> -> memref<1x128xi32, #tpu.memory_space<vmem>>
    %dma_start3A_30 = tpu.memref_squeeze %dma_start3A_29 : memref<1x128xi32, #tpu.memory_space<vmem>> -> memref<128xi32, #tpu.memory_space<vmem>>
    %dma_start3A_31 = arith.constant 0 : i32
    %dma_start3A_32 = arith.constant 0 : i32
    %dma_start3A_33 = tpu.memref_slice %arg2[%dma_start3A_31, %dma_start3A_32] : memref<253952x128xf32, #tpu.memory_space<hbm>> -> memref<253952x128xf32, #tpu.memory_space<hbm>>
    tpu.enqueue_indirect_dma source(%dma_start3A_33 : memref<253952x128xf32, #tpu.memory_space<hbm>>) target(%dma_start3A_27 : memref<128x128xf32, #tpu.memory_space<vmem>>) offsets(%dma_start3A_30 : memref<128xi32, #tpu.memory_space<vmem>>) semaphore(%arg8 : memref<!tpu.dma_semaphore, #tpu.memory_space<semaphore_mem>>)
    %dma_start3A_34 = arith.constant 3 : i32
    %dma_start3A_35 = arith.constant 384 : i32
    %dma_start3A_36 = arith.constant 0 : i32
    %dma_start3A_37 = tpu.memref_slice %arg7[%dma_start3A_35, %dma_start3A_36] : memref<512x128xf32, #tpu.memory_space<vmem>> -> memref<128x128xf32, #tpu.memory_space<vmem>>
    %dma_start3A_38 = arith.constant 0 : i32
    %dma_start3A_39 = tpu.memref_slice %arg6[%dma_start3A_34, %dma_start3A_38] : memref<4x128xi32, #tpu.memory_space<vmem>> -> memref<1x128xi32, #tpu.memory_space<vmem>>
    %dma_start3A_40 = tpu.memref_squeeze %dma_start3A_39 : memref<1x128xi32, #tpu.memory_space<vmem>> -> memref<128xi32, #tpu.memory_space<vmem>>
    %dma_start3A_41 = arith.constant 0 : i32
    %dma_start3A_42 = arith.constant 0 : i32
    %dma_start3A_43 = tpu.memref_slice %arg2[%dma_start3A_41, %dma_start3A_42] : memref<253952x128xf32, #tpu.memory_space<hbm>> -> memref<253952x128xf32, #tpu.memory_space<hbm>>
    tpu.enqueue_indirect_dma source(%dma_start3A_43 : memref<253952x128xf32, #tpu.memory_space<hbm>>) target(%dma_start3A_37 : memref<128x128xf32, #tpu.memory_space<vmem>>) offsets(%dma_start3A_40 : memref<128xi32, #tpu.memory_space<vmem>>) semaphore(%arg8 : memref<!tpu.dma_semaphore, #tpu.memory_space<semaphore_mem>>)
    %dma_wait3A = arith.constant 0 : i32
    %dma_wait3A_44 = arith.constant 0 : i32
    %dma_wait3A_45 = tpu.memref_slice %arg7[%dma_wait3A, %dma_wait3A_44] : memref<512x128xf32, #tpu.memory_space<vmem>> -> memref<128x128xf32, #tpu.memory_space<vmem>>
    %dma_wait3A_46 = arith.constant 0 : i32
    %dma_wait3A_47 = arith.constant 0 : i32
    %dma_wait3A_48 = tpu.memref_slice %arg2[%dma_wait3A_46, %dma_wait3A_47] : memref<253952x128xf32, #tpu.memory_space<hbm>> -> memref<128x128xf32, #tpu.memory_space<hbm>>
    %dma_wait3A_49 = arith.constant 0 : i32
    %dma_wait3A_50 = arith.constant 0 : i32
    %dma_wait3A_51 = tpu.memref_slice %arg7[%dma_wait3A_49, %dma_wait3A_50] : memref<512x128xf32, #tpu.memory_space<vmem>> -> memref<128x128xf32, #tpu.memory_space<vmem>>
    %dma_wait3A_52 = arith.constant 0 : i32
    %dma_wait3A_53 = arith.constant 0 : i32
    %dma_wait3A_54 = tpu.memref_slice %arg2[%dma_wait3A_52, %dma_wait3A_53] : memref<253952x128xf32, #tpu.memory_space<hbm>> -> memref<128x128xf32, #tpu.memory_space<hbm>>
    tpu.wait_dma2 semaphore(%arg8 : memref<!tpu.dma_semaphore, #tpu.memory_space<semaphore_mem>>) src(%dma_wait3A_54 : memref<128x128xf32, #tpu.memory_space<hbm>>) dst(%dma_wait3A_51 : memref<128x128xf32, #tpu.memory_space<vmem>>)
    %dma_wait3A_55 = arith.constant 128 : i32
    %dma_wait3A_56 = arith.constant 0 : i32
    %dma_wait3A_57 = tpu.memref_slice %arg7[%dma_wait3A_55, %dma_wait3A_56] : memref<512x128xf32, #tpu.memory_space<vmem>> -> memref<128x128xf32, #tpu.memory_space<vmem>>
    %dma_wait3A_58 = arith.constant 0 : i32
    %dma_wait3A_59 = arith.constant 0 : i32
    %dma_wait3A_60 = tpu.memref_slice %arg2[%dma_wait3A_58, %dma_wait3A_59] : memref<253952x128xf32, #tpu.memory_space<hbm>> -> memref<128x128xf32, #tpu.memory_space<hbm>>
    %dma_wait3A_61 = arith.constant 128 : i32
    %dma_wait3A_62 = arith.constant 0 : i32
    %dma_wait3A_63 = tpu.memref_slice %arg7[%dma_wait3A_61, %dma_wait3A_62] : memref<512x128xf32, #tpu.memory_space<vmem>> -> memref<128x128xf32, #tpu.memory_space<vmem>>
    %dma_wait3A_64 = arith.constant 0 : i32
    %dma_wait3A_65 = arith.constant 0 : i32
    %dma_wait3A_66 = tpu.memref_slice %arg2[%dma_wait3A_64, %dma_wait3A_65] : memref<253952x128xf32, #tpu.memory_space<hbm>> -> memref<128x128xf32, #tpu.memory_space<hbm>>
    tpu.wait_dma2 semaphore(%arg8 : memref<!tpu.dma_semaphore, #tpu.memory_space<semaphore_mem>>) src(%dma_wait3A_66 : memref<128x128xf32, #tpu.memory_space<hbm>>) dst(%dma_wait3A_63 : memref<128x128xf32, #tpu.memory_space<vmem>>)
    %dma_wait3A_67 = arith.constant 256 : i32
    %dma_wait3A_68 = arith.constant 0 : i32
    %dma_wait3A_69 = tpu.memref_slice %arg7[%dma_wait3A_67, %dma_wait3A_68] : memref<512x128xf32, #tpu.memory_space<vmem>> -> memref<128x128xf32, #tpu.memory_space<vmem>>
    %dma_wait3A_70 = arith.constant 0 : i32
    %dma_wait3A_71 = arith.constant 0 : i32
    %dma_wait3A_72 = tpu.memref_slice %arg2[%dma_wait3A_70, %dma_wait3A_71] : memref<253952x128xf32, #tpu.memory_space<hbm>> -> memref<128x128xf32, #tpu.memory_space<hbm>>
    %dma_wait3A_73 = arith.constant 256 : i32
    %dma_wait3A_74 = arith.constant 0 : i32
    %dma_wait3A_75 = tpu.memref_slice %arg7[%dma_wait3A_73, %dma_wait3A_74] : memref<512x128xf32, #tpu.memory_space<vmem>> -> memref<128x128xf32, #tpu.memory_space<vmem>>
    %dma_wait3A_76 = arith.constant 0 : i32
    %dma_wait3A_77 = arith.constant 0 : i32
    %dma_wait3A_78 = tpu.memref_slice %arg2[%dma_wait3A_76, %dma_wait3A_77] : memref<253952x128xf32, #tpu.memory_space<hbm>> -> memref<128x128xf32, #tpu.memory_space<hbm>>
    tpu.wait_dma2 semaphore(%arg8 : memref<!tpu.dma_semaphore, #tpu.memory_space<semaphore_mem>>) src(%dma_wait3A_78 : memref<128x128xf32, #tpu.memory_space<hbm>>) dst(%dma_wait3A_75 : memref<128x128xf32, #tpu.memory_space<vmem>>)
    %dma_wait3A_79 = arith.constant 384 : i32
    %dma_wait3A_80 = arith.constant 0 : i32
    %dma_wait3A_81 = tpu.memref_slice %arg7[%dma_wait3A_79, %dma_wait3A_80] : memref<512x128xf32, #tpu.memory_space<vmem>> -> memref<128x128xf32, #tpu.memory_space<vmem>>
    %dma_wait3A_82 = arith.constant 0 : i32
    %dma_wait3A_83 = arith.constant 0 : i32
    %dma_wait3A_84 = tpu.memref_slice %arg2[%dma_wait3A_82, %dma_wait3A_83] : memref<253952x128xf32, #tpu.memory_space<hbm>> -> memref<128x128xf32, #tpu.memory_space<hbm>>
    %dma_wait3A_85 = arith.constant 384 : i32
    %dma_wait3A_86 = arith.constant 0 : i32
    %dma_wait3A_87 = tpu.memref_slice %arg7[%dma_wait3A_85, %dma_wait3A_86] : memref<512x128xf32, #tpu.memory_space<vmem>> -> memref<128x128xf32, #tpu.memory_space<vmem>>
    %dma_wait3A_88 = arith.constant 0 : i32
    %dma_wait3A_89 = arith.constant 0 : i32
    %dma_wait3A_90 = tpu.memref_slice %arg2[%dma_wait3A_88, %dma_wait3A_89] : memref<253952x128xf32, #tpu.memory_space<hbm>> -> memref<128x128xf32, #tpu.memory_space<hbm>>
    tpu.wait_dma2 semaphore(%arg8 : memref<!tpu.dma_semaphore, #tpu.memory_space<semaphore_mem>>) src(%dma_wait3A_90 : memref<128x128xf32, #tpu.memory_space<hbm>>) dst(%dma_wait3A_87 : memref<128x128xf32, #tpu.memory_space<vmem>>)
    %mul3A_91 = arith.constant 512 : i32
    %mul3A_92 = arith.muli %add3A, %mul3A_91 : i32
    "tpu.region"() ({
      %run_scoped3A = tpu.sem_alloc : memref<!tpu.dma_semaphore, #tpu.memory_space<semaphore_mem>>
      %dma_start3A_93 = arith.constant 0 : i32
      %dma_start3A_94 = tpu.memref_slice %arg4[%mul3A_92, %dma_start3A_93] : memref<16384x128xf32, #tpu.memory_space<hbm>> -> memref<512x128xf32, #tpu.memory_space<hbm>>
      %dma_start3A_95 = arith.constant 0 : i32
      %dma_start3A_96 = tpu.memref_slice %arg4[%mul3A_92, %dma_start3A_95] : memref<16384x128xf32, #tpu.memory_space<hbm>> -> memref<512x128xf32, #tpu.memory_space<hbm>>
      tpu.enqueue_dma source(%arg7 : memref<512x128xf32, #tpu.memory_space<vmem>>) target(%dma_start3A_96 : memref<512x128xf32, #tpu.memory_space<hbm>>) target_semaphore(%run_scoped3A : memref<!tpu.dma_semaphore, #tpu.memory_space<semaphore_mem>>)
      %dma_wait3A_97 = arith.constant 0 : i32
      %dma_wait3A_98 = tpu.memref_slice %arg4[%mul3A_92, %dma_wait3A_97] : memref<16384x128xf32, #tpu.memory_space<hbm>> -> memref<512x128xf32, #tpu.memory_space<hbm>>
      %dma_wait3A_99 = arith.constant 0 : i32
      %dma_wait3A_100 = tpu.memref_slice %arg4[%mul3A_92, %dma_wait3A_99] : memref<16384x128xf32, #tpu.memory_space<hbm>> -> memref<512x128xf32, #tpu.memory_space<hbm>>
      tpu.wait_dma2 semaphore(%run_scoped3A : memref<!tpu.dma_semaphore, #tpu.memory_space<semaphore_mem>>) src(%arg7 : memref<512x128xf32, #tpu.memory_space<vmem>>) dst(%dma_wait3A_100 : memref<512x128xf32, #tpu.memory_space<hbm>>)
      tpu.yield
    }) : () -> ()
    return
  }
}

module attributes {stable_mosaic.version = 14 : i64} {
  func.func @body(%arg0: i32, %arg1: memref<2048x128xf32, #tpu.memory_space<vmem>>, %arg2: memref<1x2048xi32, #tpu.memory_space<vmem>>, %arg3: memref<1x2048xf32, #tpu.memory_space<vmem>>, %arg4: memref<128x128xbf16, #tpu.memory_space<vmem>>, %arg5: memref<64x1xf32, #tpu.memory_space<vmem>>, %arg6: memref<64x1xf32, #tpu.memory_space<vmem>>, %arg7: memref<64x64xf32, #tpu.memory_space<vmem>>, %arg8: memref<64x1xf32, #tpu.memory_space<vmem>>, %arg9: memref<64x2048xf32, #tpu.memory_space<vmem>>) attributes {dimension_semantics = [#tpu.dimension_semantics<arbitrary>], iteration_bounds = array<i64: 8>, scalar_prefetch = 0 : i64, scratch_operands = 0 : i64, tpu.core_type = #tpu.core_type<tc>, window_params = [{transform_indices = @transform_0, window_bounds = array<i64: 2048, 128>}, {transform_indices = @transform_1, window_bounds = array<i64: 1, 2048>}, {transform_indices = @transform_2, window_bounds = array<i64: 1, 2048>}, {pipeline_mode = #tpu.pipeline_mode<synchronous>, transform_indices = @transform_3, window_bounds = array<i64: 128, 128>}, {pipeline_mode = #tpu.pipeline_mode<synchronous>, transform_indices = @transform_4, window_bounds = array<i64: 64, 1>}, {pipeline_mode = #tpu.pipeline_mode<synchronous>, transform_indices = @transform_5, window_bounds = array<i64: 64, 1>}, {pipeline_mode = #tpu.pipeline_mode<synchronous>, transform_indices = @transform_6, window_bounds = array<i64: 64, 64>}, {pipeline_mode = #tpu.pipeline_mode<synchronous>, transform_indices = @transform_7, window_bounds = array<i64: 64, 1>}, {transform_indices = @transform_8, window_bounds = array<i64: 64, 2048>}]} {
    %get3A = arith.constant 0 : index
    %get3A_0 = arith.constant 0 : index
    %get3A_1 = vector.load %arg1[%get3A, %get3A_0] : memref<2048x128xf32, #tpu.memory_space<vmem>>, vector<2048x128xf32>
    %bitcast_convert_type3A = tpu.bitcast %get3A_1 : vector<2048x128xf32> -> vector<2048x128xi32>
    %shift_left3A = arith.constant 16 : i32
    %shift_left3A_2 = vector.broadcast %shift_left3A : i32 to vector<2048x128xi32>
    %shift_left3A_3 = arith.shli %bitcast_convert_type3A, %shift_left3A_2 : vector<2048x128xi32>
    %bitcast_convert_type3A_4 = tpu.bitcast %shift_left3A_3 : vector<2048x128xi32> -> vector<2048x128xf32>
    %convert_element_type3A = arith.truncf %bitcast_convert_type3A_4 : vector<2048x128xf32> to vector<2048x128xbf16>
    %and3A = arith.constant -65536 : i32
    %and3A_5 = vector.broadcast %and3A : i32 to vector<2048x128xi32>
    %and3A_6 = arith.andi %bitcast_convert_type3A, %and3A_5 : vector<2048x128xi32>
    %bitcast_convert_type3A_7 = tpu.bitcast %and3A_6 : vector<2048x128xi32> -> vector<2048x128xf32>
    %convert_element_type3A_8 = arith.truncf %bitcast_convert_type3A_7 : vector<2048x128xf32> to vector<2048x128xbf16>
    %get3A_9 = arith.constant 0 : index
    %get3A_10 = arith.constant 0 : index
    %get3A_11 = vector.load %arg4[%get3A_9, %get3A_10] : memref<128x128xbf16, #tpu.memory_space<vmem>>, vector<128x128xbf16>
    %dot_general3A = arith.constant dense<0.000000e+00> : vector<128x2048xf32>
    %dot_general3A_12 = tpu.matmul %get3A_11, %convert_element_type3A, %dot_general3A {dimension_numbers = #tpu.dot_dimension_numbers<[1], [1], [0], [0], [0, 0, 1, 0], [], []>, transpose_lhs_hint = false} : vector<128x128xbf16>, vector<2048x128xbf16>, vector<128x2048xf32> -> vector<128x2048xf32>
    %get3A_13 = arith.constant 0 : index
    %get3A_14 = arith.constant 0 : index
    %get3A_15 = vector.load %arg4[%get3A_13, %get3A_14] : memref<128x128xbf16, #tpu.memory_space<vmem>>, vector<128x128xbf16>
    %dot_general3A_16 = arith.constant dense<0.000000e+00> : vector<128x2048xf32>
    %dot_general3A_17 = tpu.matmul %get3A_15, %convert_element_type3A_8, %dot_general3A_16 {dimension_numbers = #tpu.dot_dimension_numbers<[1], [1], [0], [0], [0, 0, 1, 0], [], []>, transpose_lhs_hint = false} : vector<128x128xbf16>, vector<2048x128xbf16>, vector<128x2048xf32> -> vector<128x2048xf32>
    %get3A_18 = arith.constant 0 : index
    %get3A_19 = arith.constant 0 : index
    %get3A_20 = vector.load %arg2[%get3A_18, %get3A_19] : memref<1x2048xi32, #tpu.memory_space<vmem>>, vector<1x2048xi32>
    %shift_right_logical3A = arith.constant 13 : i32
    %shift_right_logical3A_21 = vector.broadcast %shift_right_logical3A : i32 to vector<1x2048xi32>
    %shift_right_logical3A_22 = arith.shrui %get3A_20, %shift_right_logical3A_21 : vector<1x2048xi32>
    %and3A_23 = arith.constant 1 : i32
    %and3A_24 = vector.broadcast %and3A_23 : i32 to vector<1x2048xi32>
    %and3A_25 = arith.andi %shift_right_logical3A_22, %and3A_24 : vector<1x2048xi32>
    %eq3A = arith.constant 1 : i32
    %eq3A_26 = vector.broadcast %eq3A : i32 to vector<1x2048xi32>
    %eq3A_27 = arith.cmpi eq, %and3A_25, %eq3A_26 : vector<1x2048xi32>
    %and3A_28 = arith.constant 2 : i32
    %and3A_29 = vector.broadcast %and3A_28 : i32 to vector<1x2048xi32>
    %and3A_30 = arith.andi %shift_right_logical3A_22, %and3A_29 : vector<1x2048xi32>
    %eq3A_31 = arith.constant 2 : i32
    %eq3A_32 = vector.broadcast %eq3A_31 : i32 to vector<1x2048xi32>
    %eq3A_33 = arith.cmpi eq, %and3A_30, %eq3A_32 : vector<1x2048xi32>
    %broadcast_in_dim3A = vector.shape_cast %eq3A_27 : vector<1x2048xi1> to vector<1x2048xi1>
    %broadcast_in_dim3A_34 = vector.broadcast %broadcast_in_dim3A : vector<1x2048xi1> to vector<128x2048xi1>
    %select_n3A = arith.select %broadcast_in_dim3A_34, %dot_general3A_17, %dot_general3A_12 : vector<128x2048xi1>, vector<128x2048xf32>
    %slice3A = vector.extract_strided_slice %select_n3A {offsets = [64, 0], sizes = [64, 2048], strides = [1, 1]} : vector<128x2048xf32> to vector<64x2048xf32>
    %slice3A_35 = vector.extract_strided_slice %select_n3A {offsets = [0, 0], sizes = [64, 2048], strides = [1, 1]} : vector<128x2048xf32> to vector<64x2048xf32>
    %broadcast_in_dim3A_36 = vector.shape_cast %eq3A_33 : vector<1x2048xi1> to vector<1x2048xi1>
    %broadcast_in_dim3A_37 = vector.broadcast %broadcast_in_dim3A_36 : vector<1x2048xi1> to vector<64x2048xi1>
    %select_n3A_38 = arith.select %broadcast_in_dim3A_37, %slice3A, %slice3A_35 : vector<64x2048xi1>, vector<64x2048xf32>
    %get3A_39 = arith.constant 0 : index
    %get3A_40 = arith.constant 0 : index
    %get3A_41 = vector.load %arg5[%get3A_39, %get3A_40] : memref<64x1xf32, #tpu.memory_space<vmem>>, vector<64x1xf32>
    %get3A_42 = arith.constant 0 : index
    %get3A_43 = arith.constant 0 : index
    %get3A_44 = vector.load %arg3[%get3A_42, %get3A_43] : memref<1x2048xf32, #tpu.memory_space<vmem>>, vector<1x2048xf32>
    %mul3A = vector.broadcast %get3A_41 : vector<64x1xf32> to vector<64x2048xf32>
    %mul3A_45 = vector.broadcast %get3A_44 : vector<1x2048xf32> to vector<64x2048xf32>
    %mul3A_46 = arith.mulf %mul3A, %mul3A_45 : vector<64x2048xf32>
    %get3A_47 = arith.constant 0 : index
    %get3A_48 = arith.constant 0 : index
    %get3A_49 = vector.load %arg6[%get3A_47, %get3A_48] : memref<64x1xf32, #tpu.memory_space<vmem>>, vector<64x1xf32>
    %add3A = vector.broadcast %get3A_49 : vector<64x1xf32> to vector<64x2048xf32>
    %add3A_50 = arith.addf %mul3A_46, %add3A : vector<64x2048xf32>
    %logistic3A = arith.negf %add3A_50 : vector<64x2048xf32>
    %logistic3A_51 = math.exp %logistic3A : vector<64x2048xf32>
    %logistic3A_52 = arith.constant 1.000000e+00 : f32
    %logistic3A_53 = vector.broadcast %logistic3A_52 : f32 to vector<64x2048xf32>
    %logistic3A_54 = arith.addf %logistic3A_53, %logistic3A_51 : vector<64x2048xf32>
    %logistic3A_55 = arith.divf %logistic3A_53, %logistic3A_54 : vector<64x2048xf32>
    %mul3A_56 = arith.mulf %add3A_50, %logistic3A_55 : vector<64x2048xf32>
    %get3A_57 = arith.constant 0 : index
    %get3A_58 = arith.constant 0 : index
    %get3A_59 = vector.load %arg7[%get3A_57, %get3A_58] : memref<64x64xf32, #tpu.memory_space<vmem>>, vector<64x64xf32>
    %dot_general3A_60 = arith.constant dense<0.000000e+00> : vector<64x2048xf32>
    %dot_general3A_61 = tpu.matmul %get3A_59, %mul3A_56, %dot_general3A_60 {dimension_numbers = #tpu.dot_dimension_numbers<[0], [0], [1], [1], [0, 1, 1, 1], [], []>, transpose_lhs_hint = false} : vector<64x64xf32>, vector<64x2048xf32>, vector<64x2048xf32> -> vector<64x2048xf32>
    %add3A_62 = arith.addf %select_n3A_38, %dot_general3A_61 : vector<64x2048xf32>
    %get3A_63 = arith.constant 0 : index
    %get3A_64 = arith.constant 0 : index
    %get3A_65 = vector.load %arg8[%get3A_63, %get3A_64] : memref<64x1xf32, #tpu.memory_space<vmem>>, vector<64x1xf32>
    %add3A_66 = vector.broadcast %get3A_65 : vector<64x1xf32> to vector<64x2048xf32>
    %add3A_67 = arith.addf %add3A_62, %add3A_66 : vector<64x2048xf32>
    %swap3A = arith.constant 0 : index
    %swap3A_68 = arith.constant 0 : index
    %swap3A_69 = vector.load %arg9[%swap3A, %swap3A_68] : memref<64x2048xf32, #tpu.memory_space<vmem>>, vector<64x2048xf32>
    tpu.vector_store %arg9[%swap3A, %swap3A_68], %add3A_67 {strides = array<i32>} : memref<64x2048xf32, #tpu.memory_space<vmem>>, vector<64x2048xf32>,
    return
  }
  func.func @transform_0(%arg0: i32) -> (i32, i32) {
    %c0_i32 = arith.constant 0 : i32
    %c0_i32_0 = arith.constant 0 : i32
    return %arg0, %c0_i32 : i32, i32
  }
  func.func @transform_1(%arg0: i32) -> (i32, i32) {
    %c0_i32 = arith.constant 0 : i32
    %c0_i32_0 = arith.constant 0 : i32
    return %c0_i32, %arg0 : i32, i32
  }
  func.func @transform_2(%arg0: i32) -> (i32, i32) {
    %c0_i32 = arith.constant 0 : i32
    %c0_i32_0 = arith.constant 0 : i32
    return %c0_i32, %arg0 : i32, i32
  }
  func.func @transform_3(%arg0: i32) -> (i32, i32) {
    %c0_i32 = arith.constant 0 : i32
    %c0_i32_0 = arith.constant 0 : i32
    %c0_i32_1 = arith.constant 0 : i32
    return %c0_i32, %c0_i32_0 : i32, i32
  }
  func.func @transform_4(%arg0: i32) -> (i32, i32) {
    %c0_i32 = arith.constant 0 : i32
    %c0_i32_0 = arith.constant 0 : i32
    %c0_i32_1 = arith.constant 0 : i32
    return %c0_i32, %c0_i32_0 : i32, i32
  }
  func.func @transform_5(%arg0: i32) -> (i32, i32) {
    %c0_i32 = arith.constant 0 : i32
    %c0_i32_0 = arith.constant 0 : i32
    %c0_i32_1 = arith.constant 0 : i32
    return %c0_i32, %c0_i32_0 : i32, i32
  }
  func.func @transform_6(%arg0: i32) -> (i32, i32) {
    %c0_i32 = arith.constant 0 : i32
    %c0_i32_0 = arith.constant 0 : i32
    %c0_i32_1 = arith.constant 0 : i32
    return %c0_i32, %c0_i32_0 : i32, i32
  }
  func.func @transform_7(%arg0: i32) -> (i32, i32) {
    %c0_i32 = arith.constant 0 : i32
    %c0_i32_0 = arith.constant 0 : i32
    %c0_i32_1 = arith.constant 0 : i32
    return %c0_i32, %c0_i32_0 : i32, i32
  }
  func.func @transform_8(%arg0: i32) -> (i32, i32) {
    %c0_i32 = arith.constant 0 : i32
    %c0_i32_0 = arith.constant 0 : i32
    return %c0_i32, %arg0 : i32, i32
  }
}

module attributes {stable_mosaic.version = 14 : i64} {
  func.func @body(%arg0: i32, %arg1: memref<64x32768xf32, #tpu.memory_space<vmem>>, %arg2: memref<64x64xbf16, #tpu.memory_space<vmem>>, %arg3: memref<8192x128xf32, #tpu.memory_space<vmem>>) attributes {dimension_semantics = [#tpu.dimension_semantics<parallel>], iteration_bounds = array<i64: 31>, scalar_prefetch = 0 : i64, scratch_operands = 0 : i64, tpu.core_type = #tpu.core_type<tc>, window_params = [{pipeline_mode = #tpu.pipeline_mode<double_buffered>, transform_indices = @transform_0, window_bounds = array<i64: 64, 32768>}, {pipeline_mode = #tpu.pipeline_mode<synchronous>, transform_indices = @transform_1, window_bounds = array<i64: 64, 64>}, {pipeline_mode = #tpu.pipeline_mode<double_buffered>, transform_indices = @transform_2, window_bounds = array<i64: 8192, 128>}]} {
    %get3A = arith.constant 0 : index
    %get3A_0 = arith.constant 0 : index
    %get3A_1 = vector.load %arg1[%get3A, %get3A_0] : memref<64x32768xf32, #tpu.memory_space<vmem>>, vector<64x32768xf32>
    %convert_element_type3A = arith.truncf %get3A_1 : vector<64x32768xf32> to vector<64x32768xbf16>
    %get3A_2 = arith.constant 0 : index
    %get3A_3 = arith.constant 0 : index
    %get3A_4 = vector.load %arg2[%get3A_2, %get3A_3] : memref<64x64xbf16, #tpu.memory_space<vmem>>, vector<64x64xbf16>
    %dot_general3A = arith.constant dense<0.000000e+00> : vector<32768x64xf32>
    %dot_general3A_5 = tpu.matmul %convert_element_type3A, %get3A_4, %dot_general3A {dimension_numbers = #tpu.dot_dimension_numbers<[0], [0], [1], [1], [0, 1, 1, 1], [], []>, transpose_lhs_hint = true} : vector<64x32768xbf16>, vector<64x64xbf16>, vector<32768x64xf32> -> vector<32768x64xf32>
    %convert_element_type3A_6 = arith.truncf %dot_general3A_5 : vector<32768x64xf32> to vector<32768x64xbf16>
    %bitcast_convert_type3A = tpu.bitcast %convert_element_type3A_6 : vector<32768x64xbf16> -> vector<32768x64xi16>
    %slice3A = vector.extract_strided_slice %bitcast_convert_type3A {offsets = [0, 0], sizes = [8192, 64], strides = [1, 1]} : vector<32768x64xi16> to vector<8192x64xi16>
    %convert_element_type3A_7 = arith.extui %slice3A : vector<8192x64xi16> to vector<8192x64xi32>
    %slice3A_8 = vector.extract_strided_slice %bitcast_convert_type3A {offsets = [8192, 0], sizes = [8192, 64], strides = [1, 1]} : vector<32768x64xi16> to vector<8192x64xi16>
    %convert_element_type3A_9 = arith.extui %slice3A_8 : vector<8192x64xi16> to vector<8192x64xi32>
    %slice3A_10 = vector.extract_strided_slice %bitcast_convert_type3A {offsets = [16384, 0], sizes = [8192, 64], strides = [1, 1]} : vector<32768x64xi16> to vector<8192x64xi16>
    %convert_element_type3A_11 = arith.extui %slice3A_10 : vector<8192x64xi16> to vector<8192x64xi32>
    %slice3A_12 = vector.extract_strided_slice %bitcast_convert_type3A {offsets = [24576, 0], sizes = [8192, 64], strides = [1, 1]} : vector<32768x64xi16> to vector<8192x64xi16>
    %convert_element_type3A_13 = arith.extui %slice3A_12 : vector<8192x64xi16> to vector<8192x64xi32>
    %shift_left3A = arith.constant 16 : i32
    %shift_left3A_14 = vector.broadcast %shift_left3A : i32 to vector<8192x64xi32>
    %shift_left3A_15 = arith.shli %convert_element_type3A_9, %shift_left3A_14 : vector<8192x64xi32>
    %or3A = arith.ori %convert_element_type3A_7, %shift_left3A_15 : vector<8192x64xi32>
    %bitcast_convert_type3A_16 = tpu.bitcast %or3A : vector<8192x64xi32> -> vector<8192x64xf32>
    %shift_left3A_17 = arith.constant 16 : i32
    %shift_left3A_18 = vector.broadcast %shift_left3A_17 : i32 to vector<8192x64xi32>
    %shift_left3A_19 = arith.shli %convert_element_type3A_13, %shift_left3A_18 : vector<8192x64xi32>
    %or3A_20 = arith.ori %convert_element_type3A_11, %shift_left3A_19 : vector<8192x64xi32>
    %bitcast_convert_type3A_21 = tpu.bitcast %or3A_20 : vector<8192x64xi32> -> vector<8192x64xf32>
    %concatenate3A = tpu.concatenate %bitcast_convert_type3A_16, %bitcast_convert_type3A_21 in 1 : vector<8192x64xf32>, vector<8192x64xf32> -> vector<8192x128xf32>
    %swap3A = arith.constant 0 : index
    %swap3A_22 = arith.constant 0 : index
    %swap3A_23 = vector.load %arg3[%swap3A, %swap3A_22] : memref<8192x128xf32, #tpu.memory_space<vmem>>, vector<8192x128xf32>
    tpu.vector_store %arg3[%swap3A, %swap3A_22], %concatenate3A {strides = array<i32>} : memref<8192x128xf32, #tpu.memory_space<vmem>>, vector<8192x128xf32>,
    return
  }
  func.func @transform_0(%arg0: i32) -> (i32, i32) {
    %c0_i32 = arith.constant 0 : i32
    %c0_i32_0 = arith.constant 0 : i32
    return %c0_i32, %arg0 : i32, i32
  }
  func.func @transform_1(%arg0: i32) -> (i32, i32) {
    %c0_i32 = arith.constant 0 : i32
    %c0_i32_0 = arith.constant 0 : i32
    %c0_i32_1 = arith.constant 0 : i32
    return %c0_i32, %c0_i32_0 : i32, i32
  }
  func.func @transform_2(%arg0: i32) -> (i32, i32) {
    %c0_i32 = arith.constant 0 : i32
    %c0_i32_0 = arith.constant 0 : i32
    return %arg0, %c0_i32 : i32, i32
  }
}

</mosaic_0001>

<sc_bundles>
// kernel: kernel.5.cloned.1.call-start
scs
__scs_entry_jumppad:
0x0: {  	(pc) =	sbr.rel $0x88, $3  }
0x1: {  	(tag) =	ssettag $0x0;
	lr =	simm.s32 $0x1  }
0x2: {  	[smem:$0x3F9A] =	sst lr;
	_ =	strace $0xD0000000  }
0x3: {  	_ = 	snop  }
0x4: {  	_ = 	snop  }
0x5: {  	_ = 	snop  }
0x6: {  	_ = 	snop  }
0x7: {  	_ = 	snop  }
__scs_overlays_trampoline_lowered:
0x8: {  	[smem:$0x3FA9] =	sst s0  }
0x9: {  	[smem:$0x3FAA] =	sst s1  }
0xa: {  	[smem:$0x3FAB] =	sst s2  }
0xb: {  	[smem:$0x3FAC] =	sst s3  }
0xc: {  	[smem:$0x3FAD] =	sst s4  }
0xd: {  	[smem:$0x3FAE] =	sst s5  }
0xe: {  	[smem:$0x3FAF] =	sst s6  }
0xf: {  	[smem:$0x3FB0] =	sst s7  }
0x10: {  	[smem:$0x3FB1] =	sst s8  }
0x11: {  	[smem:$0x3FB2] =	sst s9;
	s0 =	simm.s32 @!p0 $0x0  }
0x12: {  	s1 =	sld [smem:$0x3F98];
	s0 =	simm.s32 @p0 $0x1  }
0x13: {  	[smem:$0x3FB3] =	sst s0;
	s0 =	simm.s32 @!p1 $0x0  }
0x14: {  	s2 =	sld [smem:$0x3F97];
	s0 =	simm.s32 @p1 $0x1  }
0x15: {  	[smem:$0x3FB4] =	sst s0;
	s0 =	simm.s32 @!p2 $0x0  }
0x16: {  	s3 =	sld [smem:$0x3FDB];
	s0 =	simm.s32 @p2 $0x1  }
0x17: {  	s4 =	simm.s32 $0x1BF5;
	[smem:$0x3FB6] =	sst s0  }
0x18: {  	s0 =	sld [smem:$0x3F99];
	_ =	swait.ge [sflag:s4], $0x0  }
0x19: {  	s7 =	sld [smem:$0x3F9A]  }
0x1a: {  	s8 =	sadd.s32 $0xFFFFE003, lr  }
0x1b: {  	s9 =	sadd.s32 $0xFFFFFEF7, lr;
	s5 =	simm.s32 $0xFFFFFFFF;
	p2 =	slt.u32 s8, $0xFFFFF086  }
0x1c: {  	p1 =	slt.u32 s9, $0xF7A;
	s5 =	simm.s32 @!p2 $0x0  }
0x1d: {  	s5 =	simm.s32 @p1 $0x1;
	p0 =	seq.s32 s7, s2  }
0x1e: {  	s7 =	smul.u32 @!p0 $0xF7A, s2;
	p2 =	seq.s32 @!p0 s5, $0x0  }
0x1f: {  	s9 =	smul.u32 $0xF7A, s1;
	s8 =	simm.s32 @!p0 $0x1BF5;
	p2 =	por !p2, p0  }
0x20: {  	[sflag:s8] =	ssyncset.s32 @!p0 $0xFFFFF086;
	s6 =	sadd.s32 @!p0 s3, s7;
	s7 =	simm.s32 @!p0 $0x108  }
0x21: {  	s3 =	sadd.s32 s3, s9;
	s6 =	sadd.s32 @!p0 $0x88, s6;
	s7 =	simm.s32 @p2 $0x1082  }
0x22: {  	[simem:s7], [sflag:s8] =	dma.local @!p0 [hbm:s6], $0xF7A  }
0x23: {  	s9 =	sor.u32 $0xD0000000, s2;
	s6 =	simm.s32 $0x108;
	_ =	swait.ge @!p0 [sflag:s8], $0x0  }
0x24: {  	s3 =	sadd.s32 $0x88, s3;
	s6 =	simm.s32 @!p1 $0x1082;
	[sflag:s4] =	ssyncset.s32 $0xFFFFF086  }
0x25: {  	[simem:s6], [sflag:s4] =	dma.local [hbm:s3], $0xF7A  }
0x26: {  	[smem:$0x3F9A] =	sst s1;
	(tag) =	ssettag s2;
	_ =	strace s9  }
0x27: {  	s1 =	sld [smem:$0x3FAA]  }
0x28: {  	s2 =	sld [smem:$0x3FAB]  }
0x29: {  	s4 =	sld [smem:$0x3FAD]  }
0x2a: {  	p0 =	seq.s32 s5, $0x0;
	s5 =	sld [smem:$0x3FAE]  }
0x2b: {  	s6 =	sld [smem:$0x3FAF]  }
0x2c: {  	s7 =	sld [smem:$0x3FB0]  }
0x2d: {  	s3 =	simm.s32 $0x108;
	s8 =	sld [smem:$0x3FB1]  }
0x2e: {  	s3 =	simm.s32 @!p0 $0x1082;
	s9 =	sld [smem:$0x3FB2]  }
0x2f: {  	lr =	sadd.s32 s0, s3;
	s0 =	sld [smem:$0x3FA9]  }
0x30: {  	s3 =	sld [smem:$0x3FAC]  }
0x31: {  	[smem:$0x3FB5] =	sst s10  }
0x32: {  	s10 =	sld [smem:$0x3FB3];
	_ =	sdelay $0x3  }
0x33: {  	p0 =	seq.s32 s10, $0x1;
	s10 =	sld [smem:$0x3FB5];
	_ =	sdelay $0x3  }
0x34: {  	[smem:$0x3FB5] =	sst s10  }
0x35: {  	s10 =	sld [smem:$0x3FB4];
	_ =	sdelay $0x3  }
0x36: {  	p1 =	seq.s32 s10, $0x1;
	s10 =	sld [smem:$0x3FB5];
	_ =	sdelay $0x3  }
0x37: {  	[smem:$0x3FB5] =	sst s10  }
0x38: {  	s10 =	sld [smem:$0x3FB6]  }
0x39: {  	_ = 	snop;
	(pc) =	sbr.ind lr, $3  }
0x3a: {  	_ = 	snop  }
0x3b: {  	_ = 	snop  }
0x3c: {  	p2 =	seq.s32 s10, $0x1;
	s10 =	sld [smem:$0x3FB5]  }
0x3d: {  	_ =	shalt  }
0x3e: {  	_ =	shalt  }
0x3f: {  	_ =	shalt  }
0x40: {  	_ =	shalt  }
0x41: {  	_ =	shalt  }
0x42: {  	_ =	shalt  }
0x43: {  	_ =	shalt  }
0x44: {  	_ =	shalt  }
0x45: {  	_ =	shalt  }
0x46: {  	_ =	shalt  }
0x47: {  	_ =	shalt  }
0x48: {  	_ =	shalt  }
0x49: {  	_ =	shalt  }
0x4a: {  	_ =	shalt  }
0x4b: {  	_ =	shalt  }
0x4c: {  	_ =	shalt  }
0x4d: {  	_ =	shalt  }
0x4e: {  	_ =	shalt  }
0x4f: {  	_ =	shalt  }
0x50: {  	_ =	shalt  }
0x51: {  	_ =	shalt  }
0x52: {  	_ =	shalt  }
0x53: {  	_ =	shalt  }
0x54: {  	_ =	shalt  }
0x55: {  	_ =	shalt  }
0x56: {  	_ =	shalt  }
0x57: {  	_ =	shalt  }
0x58: {  	_ =	shalt  }
0x59: {  	_ =	shalt  }
0x5a: {  	_ =	shalt  }
0x5b: {  	_ =	shalt  }
0x5c: {  	_ =	shalt  }
0x5d: {  	_ =	shalt  }
0x5e: {  	_ =	shalt  }
0x5f: {  	_ =	shalt  }
0x60: {  	_ =	shalt  }
0x61: {  	_ =	shalt  }
0x62: {  	_ =	shalt  }
0x63: {  	_ =	shalt  }
0x64: {  	_ =	shalt  }
0x65: {  	_ =	shalt  }
0x66: {  	_ =	shalt  }
0x67: {  	_ =	shalt  }
0x68: {  	_ =	shalt  }
0x69: {  	_ =	shalt  }
0x6a: {  	_ =	shalt  }
0x6b: {  	_ =	shalt  }
0x6c: {  	_ =	shalt  }
0x6d: {  	_ =	shalt  }
0x6e: {  	_ =	shalt  }
0x6f: {  	_ =	shalt  }
0x70: {  	_ =	shalt  }
0x71: {  	_ =	shalt  }
0x72: {  	_ =	shalt  }
0x73: {  	_ =	shalt  }
0x74: {  	_ =	shalt  }
0x75: {  	_ =	shalt  }
0x76: {  	_ =	shalt  }
0x77: {  	_ =	shalt  }
0x78: {  	_ =	shalt  }
0x79: {  	_ =	shalt  }
0x7a: {  	_ =	shalt  }
0x7b: {  	_ =	shalt  }
0x7c: {  	_ =	shalt  }
0x7d: {  	_ =	shalt  }
0x7e: {  	_ =	shalt  }
0x7f: {  	_ =	shalt  }
0x80: {  	_ =	shalt  }
0x81: {  	_ =	shalt  }
0x82: {  	_ =	shalt  }
0x83: {  	_ =	shalt  }
0x84: {  	_ =	shalt  }
0x85: {  	_ =	shalt  }
0x86: {  	_ =	shalt  }
0x87: {  	_ =	shalt  }
.Lfunc_end0:
.L_simem_size_0:
called_computation_lowered:
.L_overlay_start_0:
0x88: {  	s2 =	sld [smem:$0x3FD9]  }
0x89: {  	s3 =	sld [smem:$0x3FFE];
	_ =	sdelay $0x1  }
0x8a: {  	s1 =	srdreg.scid  }
0x8b: {  	s0 =	sand.u32 $0x1, s1  }
0x8c: {  	s17 =	sshll.u32 s0, $0xA;
	s2 =	sadd.s32 s3, s2  }
0x8d: {  	s2 =	sadd.s32 s2, s17  }
0x8e: {  	[smem:$0x3FC1] =	sst s2  }
0x8f: {  	_ = 	snop  }
0x90: {  	s2 =	sld [smem:$0x3FD0];
	(tm) =	ssettm $0x1  }
0x91: {  	s18 =	sld [smem:$0x3FFB];
	_ =	sdelay $0x3  }
0x92: {  	_ =	strace s18  }
0x93: {  	s3 =	sld [smem:$0x3FFC];
	_ =	sdelay $0x3  }
0x94: {  	_ =	strace s3  }
0x95: {  	s3 =	sld [smem:$0x3FFD];
	_ =	sdelay $0x3  }
0x96: {  	_ =	strace s3  }
0x97: {  	_ =	strace $0x8FFFFFFF  }
0x98: {  	s19 =	sld [smem:$0x3FDB];
	_ =	sdelay $0x1  }
0x99: {  	s4 =	simm.s32 $_scs_section_size  }
0x9a: {  	s5 =	simm.s32 $_size__tile_overlayer_lowered;
	s6 =	simm.s32 $_tile_overlayer_lowered  }
0x9b: {  	s22 =	simm.s32 $0x1BFF;
	s21 =	sshll.u32 s6, $0x1;
	s3 =	sadd.s32 s4, s19  }
0x9c: {  	s7 =	simm.s32 $0x0;
	s20 =	sshll.u32 s5, $0x1;
	s5 =	sadd.s32 s21, s3  }
0x9d: {  	[timem:s7], [sflag:s22] =	dma.local [hbm:s5], s20  }
0x9e: {  	_ =	swait.ge [sflag:s22], s20  }
0x9f: {  	s4 =	ssub.s32 $0x0, s20;
	[sflag:s22] =	ssyncset.done $0x0  }
0xa0: {  	[sflag:s22] =	ssyncadd.s32 s4;
	_ =	sdelay $0x1  }
0xa1: {  	s23 =	simm.s32 $0x1B8B  }
0xa2: {  	_ =	swait.ge [sflag:s23], $0x1  }
0xa3: {  	[sflag:s23] =	ssyncset.done $0x0  }
0xa4: {  	s25 =	simm.s32 $0x1B8E;
	s24 =	sld [smem:$0x3FFE];
	[sflag:s23] =	ssyncadd.s32 $0xFFFFFFFF  }
0xa5: {  	s26 =	simm.s32 $execute0_lowered;
	[smem:$0x3FD2] =	sst s25  }
0xa6: {  	s5 =	sshll.u32 s26, $0x1;
	_ =	strace $0x80000046;
	[dreg:$0x1] =	wrdreg $0xFFFFFFFF  }
0xa7: {  	s28 =	simm.s32 $_size_execute0_lowered;
	s3 =	sadd.s32 s3, s5;
	[dreg:$0x0] =	wrdreg $0x0  }
0xa8: {  	s5 =	sshll.u32 s28, $0x1;
	[dreg:$0x2] =	wrdreg s3  }
0xa9: {  	[dreg:$0x3] =	wrdreg s5  }
0xaa: {  	[dreg:$0x4] =	wrdreg $0xC0  }
0xab: {  	_ =	task [dreg:s7], $0x5FFFF  }
0xac: {  	[dreg:$0x1] =	wrdreg $0xFFFFFFFF  }
0xad: {  	[dreg:$0x0] =	wrdreg $0x60  }
0xae: {  	[dreg:$0x2] =	wrdreg s24  }
0xaf: {  	[dreg:$0x3] =	wrdreg s2  }
0xb0: {  	[dreg:$0x4] =	wrdreg $0x9  }
0xb1: {  	_ =	task.clear_ibuf [dreg:s7], $0x5FFFF;
	_ =	strace $0x90000046  }
0xb2: {  	s29 =	simm.s32 $0x9;
	_ =	strace $0x80000048  }
0xb3: {  	_ =	swait.ge [sflag:s29], $0x1  }
0xb4: {  	[sflag:s29] =	ssyncadd.s32 $0xFFFFFFFF  }
0xb5: {  	_ =	strace $0x90000048  }
0xb6: {  	_ =	sfence  }
0xb7: {  	s30 =	sld [smem:$0x0];
	_ =	sdelay $0x2  }
0xb8: {  	s31 =	sshll.u32 s1, $0xD;
	s1 =	sshrl.u32 s1, $0x2  }
0xb9: {  	s3 =	sand.u32 $0x4000, s31;
	s1 =	sadd.s32 s1, s30  }
0xba: {  	s0 =	sor.u32 s3, s0;
	s1 =	sshll.u32 s1, $0x11  }
0xbb: {  	s0 =	sor.u32 s1, s0  }
0xbc: {  	s0 =	sadd.s32 $0x8F2B, s0  }
0xbd: {  	[sflag:s0] =	ssyncadd.remote.s32 $0x1  }
0xbe: {  	_ =	sfence.sel $0xFFFF  }
0xbf: {  	[dreg:$0x0] =	wrdreg $0xFFFFFFFF;
	(pc) =	sbr.abs _section_cstart, $3  }
0xc0: {  	[dreg:$0x1] =	wrdreg $0xFFFFFFFF  }
0xc1: {  	_ =	task.clear_ibuf [dreg:s7], $0x2FFFF;
	_ =	strace $0x9FFFFFFF  }
0xc2: {  	(tm) =	ssettm $0x7FFFFFFF  }
0xc3: {  	_ =	shalt  }
tec
execute0_lowered:
.L_overlay_start_1:
0x0: {  	(tag) =	ssettag $0x1  }
0x1: {  	s4 =	rddreg [dreg:$0x0]  }
0x2: {  	s5 =	rddreg [dreg:$0x1]  }
0x3: {  	s0 =	rddreg [dreg:$0x2];
	s3 =	srdreg.scid  }
0x4: {  	s1 =	stileid.u32;
	s2 =	simm.s32 $0x0;
	s10 =	simm.s32 $0x200  }
0x5: {  	s11 =	simm.s32 $0x280;
	s12 =	simm.s32 $0x4400;
	s13 =	simm.s32 $0x300  }
0x6: {  	s14 =	simm.s32 $0x8400;
	s15 =	simm.s32 $0x380;
	s16 =	simm.s32 $0xC400  }
0x7: {  	s17 =	simm.s32 $0x1;
	s18 =	simm.s32 $0x0;
	s6 =	sand.u32 $0x1, s3  }
0x8: {  	s28 =	sshll.u32 s1, $0x1;
	[smem:$0x7FF] =	sst s2;
	s3 =	sadd.s32 $0x1400, s4  }
0x9: {  	s30 =	sshll.u32 s1, $0x7;
	s7 =	sor.u32 s6, s28;
	_ =	strace $0x80000047  }
0xa: {  	s29 =	ssub.s32 $0x2, s6;
	s6 =	sand.u32 $0x600, s30;
	s8 =	sshll.u32 s7, $0xD  }
0xb: {  	s9 =	sshrl.u32 s29, $0x1;
	s7 =	sshll.u32 s7, $0x4;
	s5 =	sadd.s32 s5, s6  }
0xc: {  	s8 =	sadd.s32 s8, s4;
	s9 =	ssub.s32 s29, s9;
	s31 =	sand.u32 $0x70, s7  }
0xd: {  	s7 =	simm.s32 $0x80;
	s4 =	sadd.s32 s31, s5;
	s5 =	sadd.s32 $0x3E1400, s8  }
0xe: {  	s6 =	smax.u32 s9, $0x1;
	s8 =	simm.s32 $0x400;
	s9 =	simm.s32 $0x2  }
.LBB2_1:
0xf: {  	[tilespmem:s2], [sflag:$0x2] =	stream.strided.gather [hbm4b:s4+s7], $0x200, s8, s7, $0x38;
	[tilespmem:$0x10400] =	vst v63  }
0x10: {  	_ =	swait.ge [sflag:s9], $0x200  }
0x11: {  	[sflag:s9] =	ssyncset.done $0x0  }
0x12: {  	[sflag:s9] =	ssyncadd.s32 $0xFFFFFE00  }
0x13: {  	s20 =	simm.s32 $0x10;
	s19 =	simm.s32 $0x0;
	s21 =	simm.s32 $0x0;
	v0 =	vld [tilespmem:s2+$0x0]  }
.LBB2_2:
0x14: {  	p0 =	sne.s32 s20, $0x1F0;
	_ =	sdelay $0x3  }
.Ltmp0:
0x15: {  	v1 =	vshrl.u32 v0, $0x2;
	(pc) =	sbr.rel @p0 .LBB2_2-.Ltmp0, $4  }
0x16: {  	v0 =	vand.u32 $0x1FFF, v0;
	v1 =	vand.u32 $0x3FFFE000, v1  }
0x17: {  	s22 =	sand.u32 $0x1F0, s19;
	s19 =	smov.u32 s20;
	v0 =	vor.u32 v0, v1  }
0x18: {  	s21 =	sadd.s32 $0x10, s21;
	[tilespmem:s22+$0x200] =	vst v0  }
0x19: {  	s20 =	sadd.s32 $0x10, s20;
	v0 =	vld [tilespmem:s21+$0x0]  }
0x1a: {  	_ =	sdelay $0x3  }
0x1b: {  	v1 =	vshrl.u32 v0, $0x2  }
0x1c: {  	v63 =	vand.u32 $0x1FFF, v0;
	v1 =	vand.u32 $0x3FFFE000, v1  }
0x1d: {  	s19 =	sand.u32 $0x1F0, s19;
	v0 =	vor.u32 v63, v1  }
0x1e: {  	[tilespmem:s19+$0x200] =	vst v0  }
0x1f: {  	[tilespmem:s8], [sflag:$0x1] =	stream.indirect.gather [hbm4b:s3+s7], $0x80, s10, s7, $0xb8;
	[tilespmem:$0x10400] =	vst v63  }
0x20: {  	_ = 	snop  }
0x21: {  	[tilespmem:s12], [sflag:$0x1] =	stream.indirect.gather [hbm4b:s3+s7], $0x80, s11, s7, $0xb8;
	[tilespmem:$0x10400] =	vst v63  }
0x22: {  	_ = 	snop  }
0x23: {  	[tilespmem:s14], [sflag:$0x1] =	stream.indirect.gather [hbm4b:s3+s7], $0x80, s13, s7, $0xb8;
	[tilespmem:$0x10400] =	vst v63  }
0x24: {  	_ = 	snop  }
0x25: {  	[tilespmem:s16], [sflag:$0x1] =	stream.indirect.gather [hbm4b:s3+s7], $0x80, s15, s7, $0xb8;
	[tilespmem:$0x10400] =	vst v63  }
0x26: {  	_ =	swait.ge [sflag:s17], $0x4000  }
0x27: {  	[sflag:s17] =	ssyncset.done $0x0  }
0x28: {  	[sflag:s17] =	ssyncadd.s32 $0xFFFFC000  }
0x29: {  	_ =	swait.ge [sflag:s17], $0x4000  }
0x2a: {  	[sflag:s17] =	ssyncset.done $0x0  }
0x2b: {  	[sflag:s17] =	ssyncadd.s32 $0xFFFFC000  }
0x2c: {  	_ =	swait.ge [sflag:s17], $0x4000  }
0x2d: {  	[sflag:s17] =	ssyncset.done $0x0  }
0x2e: {  	[sflag:s17] =	ssyncadd.s32 $0xFFFFC000  }
0x2f: {  	s18 =	sadd.s32 $0x1, s18;
	_ =	swait.ge [sflag:s17], $0x4000  }
0x30: {  	p0 =	sne.s32 s18, s6;
	[sflag:s17] =	ssyncset.done $0x0  }
.Ltmp1:
0x31: {  	[sflag:s17] =	ssyncadd.s32 $0xFFFFC000;
	(pc) =	sbr.rel @p0 .LBB2_1-.Ltmp1, $4  }
0x32: {  	[hbm4b:s5+s2] =	stream.linear.scatter [tilespmem:s8], [sflag:$0x2], $0x10000, $0x38;
	[tilespmem:$0x10400] =	vst v63  }
0x33: {  	_ =	swait.ge [sflag:s9], $0x10000  }
0x34: {  	[sflag:s9] =	ssyncset.done $0x0  }
0x35: {  	[sflag:s9] =	ssyncadd.s32 $0xFFFF0000  }
0x36: {  	_ =	sfence.sel $0x180000  }
0x37: {  	[bflag:$0x0] =	sbarrier.arrive $0xFFFF  }
0x38: {  	p0 =	sne.s32 s1, $0x0;
	_ =	strace $0x90000047  }
0x39: {  	s0 =	sadd.s32 @!p0 $0x100000, s0;
	[bflag:$0x2] =	sbarrier.arrive $0xFFFF  }
0x3a: {  	[sflag:s0] =	ssyncadd.tile.s32 @!p0 $0x1;
	_ =	shalt  }
.Lfunc_end2:
_tile_overlayer_lowered:
.L_overlay_start_2:
0x3b: {  	(tag) =	ssettag $0x2  }
0x3c: {  	s0 =	rddreg [dreg:$0x0];
	s2 =	stileid.u32  }
0x3d: {  	s1 =	rddreg [dreg:$0x1];
	p0 =	sne.s32 s2, $0x0  }
0x3e: {  	s3 =	rddreg [dreg:$0x2];
	[bflag:$0x3] =	sbarrier.arrive $0xFFFF;
	s2 =	simm.s32 @!p0 $0x1C02  }
0x3f: {  	[timem:s3], [sflag:s2] =	dma.local @!p0 [hbm:s0], s1  }
0x40: {  	s0 =	simm.s32 @!p0 $0x2  }
0x41: {  	_ =	swait.ge @!p0 [sflag:s0], s1  }
0x42: {  	s1 =	ssub.s32 @!p0 $0x0, s1;
	[sflag:s0] =	ssyncset.done @!p0 $0x0  }
0x43: {  	[sflag:s0] =	ssyncadd.s32 @!p0 s1  }
0x44: {  	[bflag:$0x3] =	sbarrier.arrive $0xFFFF  }
0x45: {  	_ =	shalt  }

</sc_bundles>
